<compile_context>
chip_gen: v7x
topology: tpu7x:2x2x1
jax: 0.10.2.dev20260603
libtpu: 0.0.44.dev20260713+nightly
codegen_flags: <defaults>
</compile_context>

<pallas_src>
import functools

import jax
import jax.numpy as jnp
from jax import lax
from jax.experimental import pallas as pl
from jax.experimental.pallas import tpu as pltpu
from jax.experimental.pallas import tpu_sc as plsc

T, A, D = 32, 32, 2048
E, H, NA, ADD = 8, 2048, 32, 12
N = T * A
TM = 128
G = 15
CAP = 2048

NC, NS = 2, 16
NW = NC * NS
OUT_W = 128
TMLOG = 7


def _sc_gather_rows(table, idx, rows_per_worker, chunk):
    B = idx.shape[0]
    row_shape = table.shape[1:]
    nch = rows_per_worker // chunk
    mesh = plsc.VectorSubcoreMesh(core_axis_name="c", subcore_axis_name="s")

    @functools.partial(
        pl.kernel,
        mesh=mesh,
        out_type=jax.ShapeDtypeStruct((B,) + row_shape, table.dtype),
        scratch_types=[
            pltpu.VMEM((rows_per_worker,), jnp.int32),
            pltpu.VMEM((chunk,) + row_shape, table.dtype),
            pltpu.VMEM((chunk,) + row_shape, table.dtype),
            pltpu.SemaphoreType.DMA,
            pltpu.SemaphoreType.DMA,
            pltpu.SemaphoreType.DMA,
            pltpu.SemaphoreType.DMA,
        ],
    )
    def k(table_hbm, idx_hbm, out_hbm, idx_v, buf_a, buf_b, gs_a, gs_b,
          ss_a, ss_b):
        wid = lax.axis_index("s") * NC + lax.axis_index("c")
        base = wid * rows_per_worker
        pltpu.sync_copy(idx_hbm.at[pl.ds(base, rows_per_worker)], idx_v)
        bufs, gsems, ssems = [buf_a, buf_b], [gs_a, gs_b], [ss_a, ss_b]
        gathers = [None] * nch
        stores = [None] * nch
        gathers[0] = pltpu.async_copy(
            table_hbm.at[idx_v.at[pl.ds(0, chunk)]], bufs[0], gsems[0])
        for c in range(nch):
            b = c % 2
            gathers[c].wait()
            if c + 1 < nch:
                if c >= 1:
                    stores[c - 1].wait()
                gathers[c + 1] = pltpu.async_copy(
                    table_hbm.at[idx_v.at[pl.ds((c + 1) * chunk, chunk)]],
                    bufs[(c + 1) % 2], gsems[(c + 1) % 2])
            stores[c] = pltpu.async_copy(
                bufs[b], out_hbm.at[pl.ds(base + c * chunk, chunk)], ssems[b])
        stores[nch - 1].wait()
        if nch >= 2:
            stores[nch - 2].wait()

    return k(table, idx)


def _tc_routing_meta(eid2d, x2d):

    def body(eid_ref, x_ref, pos_ref, te_ref, valid_ref, xbf_ref):
        eid = eid_ref[0]
        e_iota = jax.lax.broadcasted_iota(jnp.int32, (E, N), 0)
        onehot = (eid[None, :] == e_iota).astype(jnp.int32)
        cum = onehot
        s = 1
        while s < N:
            shifted = jnp.concatenate(
                [jnp.zeros((E, s), jnp.int32), cum[:, :N - s]], axis=1)
            cum = cum + shifted
            s *= 2
        counts = cum[:, N - 1:N]
        tiles = jax.lax.shift_right_logical(counts + (TM - 1), TMLOG)
        ct = tiles
        s = 1
        while s < E:
            ct = ct + jnp.concatenate(
                [jnp.zeros((s, 1), jnp.int32), ct[:E - s, :]], axis=0)
            s *= 2
        tstart = ct - tiles
        rank = jnp.sum((cum - onehot) * onehot, axis=0)
        pos_ref[0, :] = jnp.sum(onehot * tstart, axis=0) * TM + rank
        t_arr = jax.lax.broadcasted_iota(jnp.int32, (1, G), 1)
        te_raw = jnp.sum((ct <= t_arr).astype(jnp.int32), axis=0,
                         keepdims=True)
        total = ct[E - 1:E, :]
        valid = (t_arr < total).astype(jnp.int32)
        last_e = jnp.sum((ct <= total - 1).astype(jnp.int32), axis=0,
                         keepdims=True)
        te_ref[...] = jnp.where(valid == 1, jnp.minimum(te_raw, E - 1),
                                jnp.broadcast_to(last_e, (1, G)))
        valid_ref[...] = valid
        xbf_ref[...] = x_ref[...].astype(jnp.bfloat16)

    return pl.pallas_call(
        body,
        out_shape=[
            jax.ShapeDtypeStruct((1, N), jnp.int32),
            jax.ShapeDtypeStruct((1, G), jnp.int32),
            jax.ShapeDtypeStruct((1, G), jnp.int32),
            jax.ShapeDtypeStruct((N, D), jnp.bfloat16),
        ],
    )(eid2d, x2d)


def _tc_expert_tiles(te, valid, pos, x_bf, W1, W2, b1, b2, ph2f):

    def body(te_ref, valid_ref, pos_ref, x_ref, w1_ref, w2_ref, b1_ref,
             b2_ref, ph2f_ref, out_ref):
        w = pl.program_id(0)
        e = te_ref[w]

        @pl.when(valid_ref[w] == 1)
        def _():
            row_ids = jax.lax.broadcasted_iota(jnp.int32, (TM, N), 0) + w * TM
            mask = (row_ids == pos_ref[0][None, :]).astype(jnp.bfloat16)
            x_tile = jnp.dot(mask, x_ref[...],
                             preferred_element_type=jnp.float32)
            x_tile = x_tile.astype(jnp.bfloat16)
            b1eff = b1_ref[0, 0]
            for a in range(ADD):
                b1eff = b1eff + ph2f_ref[e, a] * w1_ref[0, D + a, :]
            h = jnp.dot(x_tile, w1_ref[0, :D, :],
                        preferred_element_type=jnp.float32)
            h = jnp.maximum(h + b1eff[None, :], 0.0)
            logits = jnp.dot(h.astype(jnp.bfloat16), w2_ref[0],
                             preferred_element_type=jnp.float32)
            logits = logits + b2_ref[0, 0][None, :]
            m = jnp.max(logits, axis=1, keepdims=True)
            lse = jnp.log(jnp.sum(jnp.exp(logits - m), axis=1, keepdims=True))
            out_ref[:, NA:] = jnp.zeros((TM, OUT_W - NA), jnp.float32)
            out_ref[:, :NA] = logits - (m + lse)

        @pl.when(valid_ref[w] == 0)
        def _():
            out_ref[...] = jnp.zeros_like(out_ref)

    grid_spec = pltpu.PrefetchScalarGridSpec(
        num_scalar_prefetch=2,
        grid=(G,),
        in_specs=[
            pl.BlockSpec((1, N), lambda w, te, v: (0, 0)),
            pl.BlockSpec((N, D), lambda w, te, v: (0, 0)),
            pl.BlockSpec((1, D + ADD, H), lambda w, te, v: (te[w], 0, 0)),
            pl.BlockSpec((1, H, NA), lambda w, te, v: (te[w], 0, 0)),
            pl.BlockSpec((1, 1, H), lambda w, te, v: (te[w], 0, 0)),
            pl.BlockSpec((1, 1, NA), lambda w, te, v: (te[w], 0, 0)),
            pl.BlockSpec(memory_space=pltpu.SMEM),
        ],
        out_specs=pl.BlockSpec((TM, OUT_W), lambda w, te, v: (w, 0)),
    )
    return pl.pallas_call(
        body,
        grid_spec=grid_spec,
        out_shape=jax.ShapeDtypeStruct((G * TM, OUT_W), jnp.float32),
        compiler_params=pltpu.CompilerParams(
            dimension_semantics=("arbitrary",),
        ),
    )(te, valid, pos, x_bf, W1, W2, b1.reshape(E, 1, H),
      b2.reshape(E, 1, NA), ph2f)


def kernel(obs, expert_ids, ph_to_feature, W1, b1, W2, b2):
    x2d = obs.reshape(N, D)
    eid2d = expert_ids.reshape(1, N).astype(jnp.int32)

    pos2d, te2d, valid2d, x_bf = _tc_routing_meta(eid2d, x2d)
    te = te2d.reshape(G)
    valid = valid2d.reshape(G)

    out_sorted = _tc_expert_tiles(te, valid, pos2d, x_bf,
                                  W1.astype(jnp.bfloat16),
                                  W2.astype(jnp.bfloat16),
                                  b1, b2, ph_to_feature)

    logp = _sc_gather_rows(out_sorted, pos2d.reshape(N),
                           rows_per_worker=N // NW, chunk=N // NW)
    return logp[:, :NA].reshape(T, A, NA)

# --- scband reference (transcript-rebuilt; emitter-appended) ---
"""Pipeline reference for scband-hete-net-84988812853490 (READ-ONLY COPY).

The authoritative reference and input builder live on the scoring server;
editing this copy changes nothing except your own understanding.
"""

import jax, jax.numpy as jnp
import numpy as np

T, A, D = 32, 32, 2048
E, H, NA, ADD = 8, 2048, 32, 12

def setup_inputs(seed: int = 0) -> dict:
    key = jax.random.key(seed)
    k1, k2, k3, k4, k5 = jax.random.split(key, 5)
    obs = jax.random.normal(k1, (T, A, D), dtype=jnp.float32)
    expert_ids = jax.random.randint(k2, (T, A), 0, E).astype(jnp.int64)
    # ph_to_feature: per-placeholder hete feature vector (addon_dim=12), as in HeteNet.ph_to_feature
    ph_to_feature = jax.random.normal(k3, (E, ADD), dtype=jnp.float32) * 0.1
    # per-expert MLP params (Net(rawob_dim + addon_dim, n_action)) for each of n_tp*n_gp placeholders
    W1 = jax.random.normal(k4, (E, D + ADD, H), dtype=jnp.float32) * 0.02
    b1 = jnp.zeros((E, H), dtype=jnp.float32)
    W2 = jax.random.normal(k5, (E, H, NA), dtype=jnp.float32) * 0.02
    b2 = jnp.zeros((E, NA), dtype=jnp.float32)
    return {"obs": obs, "expert_ids": expert_ids, "ph_to_feature": ph_to_feature,
            "W1": W1, "b1": b1, "W2": W2, "b2": b2}

def reference(obs, expert_ids, ph_to_feature, W1, b1, W2, b2):
    # HeteNet forward: flatten (threads, agents) -> tokens, route each token to its
    # heterogeneous net placeholder via boolean mask (distribute_compute), run the
    # selected Net, scatter results back into the (threads, agents) layout.
    n_threads, n_agents, d = obs.shape
    n_exp = W1.shape[0]
    x = obs.reshape(n_threads * n_agents, d)
    eid = expert_ids.reshape(-1)
    # addon feature lookup (gather): concat hete placeholder feature to raw obs
    addon = jnp.take(ph_to_feature, eid, axis=0)
    xin = jnp.concatenate([x, addon], axis=-1)
    out = jnp.zeros((n_threads * n_agents, W2.shape[-1]), dtype=jnp.float32)
    for e in range(n_exp):
        mask = (eid == e)
        h = jnp.maximum(xin @ W1[e] + b1[e], 0.0)
        logits = h @ W2[e] + b2[e]
        # _create_tensor_ph_or_fill_: scatter expert output back at masked token slots
        out = out + jnp.where(mask[:, None], logits, 0.0)
    # Categorical head -> action log-probs
    logp = jax.nn.log_softmax(out, axis=-1)
    # _tensor_expand_thread_dim_v2_: restore (n_threads, n_agents, ...) layout
    return logp.reshape(n_threads, n_agents, -1)

if __name__ == "__main__":
    import jax
    _d = setup_inputs()
    print(jax.jit(kernel)(*tuple(_d.values())))

</pallas_src>

<mosaic_0001>
#map = affine_map<(d0, d1) -> (0, 0)>
#map1 = affine_map<(d0, d1) -> (0)>
module attributes {stable_mosaic.version = 14 : i64} {
  func.func @k(%arg0: i32, %arg1: i32, %arg2: memref<1920x128xf32, #tpu.memory_space<hbm>>, %arg3: memref<1024xi32, #tpu.memory_space<hbm>>, %arg4: memref<1024x128xf32, #tpu.memory_space<hbm>>, %arg5: memref<32xi32, #tpu.memory_space<vmem>>, %arg6: memref<32x128xf32, #tpu.memory_space<vmem>>, %arg7: memref<32x128xf32, #tpu.memory_space<vmem>>, %arg8: memref<!tpu.dma_semaphore, #tpu.memory_space<semaphore_mem>>, %arg9: memref<!tpu.dma_semaphore, #tpu.memory_space<semaphore_mem>>, %arg10: memref<!tpu.dma_semaphore, #tpu.memory_space<semaphore_mem>>, %arg11: memref<!tpu.dma_semaphore, #tpu.memory_space<semaphore_mem>>) attributes {dimension_semantics = [#tpu.dimension_semantics<core_parallel>, #tpu.dimension_semantics<subcore_parallel>], iteration_bounds = array<i64: 2, 16>, scalar_prefetch = 0 : i64, scratch_operands = 7 : i64, tpu.core_type = #tpu.core_type<sc_vector_subcore>, window_params = [{transform_indices = #map}, {transform_indices = #map1}, {transform_indices = #map}]} {
    %mul3A = arith.constant 2 : i32
    %mul3A_0 = arith.muli %arg1, %mul3A : i32
    %add3A = arith.addi %mul3A_0, %arg0 : i32
    %mul3A_1 = arith.constant 32 : i32
    %mul3A_2 = arith.muli %add3A, %mul3A_1 : i32
    "tpu.region"() ({
      %run_scoped3A = tpu.sem_alloc : memref<!tpu.dma_semaphore, #tpu.memory_space<semaphore_mem>>
      %dma_start3A_21 = tpu.memref_slice %arg3[%mul3A_2] : memref<1024xi32, #tpu.memory_space<hbm>> -> memref<32xi32, #tpu.memory_space<hbm>>
      %dma_start3A_22 = tpu.memref_slice %arg3[%mul3A_2] : memref<1024xi32, #tpu.memory_space<hbm>> -> memref<32xi32, #tpu.memory_space<hbm>>
      tpu.enqueue_dma source(%dma_start3A_22 : memref<32xi32, #tpu.memory_space<hbm>>) target(%arg5 : memref<32xi32, #tpu.memory_space<vmem>>) target_semaphore(%run_scoped3A : memref<!tpu.dma_semaphore, #tpu.memory_space<semaphore_mem>>)
      %dma_wait3A_23 = tpu.memref_slice %arg3[%mul3A_2] : memref<1024xi32, #tpu.memory_space<hbm>> -> memref<32xi32, #tpu.memory_space<hbm>>
      %dma_wait3A_24 = tpu.memref_slice %arg3[%mul3A_2] : memref<1024xi32, #tpu.memory_space<hbm>> -> memref<32xi32, #tpu.memory_space<hbm>>
      tpu.wait_dma2 semaphore(%run_scoped3A : memref<!tpu.dma_semaphore, #tpu.memory_space<semaphore_mem>>) src(%dma_wait3A_24 : memref<32xi32, #tpu.memory_space<hbm>>) dst(%arg5 : memref<32xi32, #tpu.memory_space<vmem>>)
      tpu.yield
    }) : () -> ()
    %dma_start3A = arith.constant 0 : i32
    %dma_start3A_3 = tpu.memref_slice %arg5[%dma_start3A] : memref<32xi32, #tpu.memory_space<vmem>> -> memref<32xi32, #tpu.memory_space<vmem>>
    %dma_start3A_4 = arith.constant 0 : i32
    %dma_start3A_5 = arith.constant 0 : i32
    %dma_start3A_6 = tpu.memref_slice %arg2[%dma_start3A_4, %dma_start3A_5] : memref<1920x128xf32, #tpu.memory_space<hbm>> -> memref<1920x128xf32, #tpu.memory_space<hbm>>
    tpu.enqueue_indirect_dma source(%dma_start3A_6 : memref<1920x128xf32, #tpu.memory_space<hbm>>) target(%arg6 : memref<32x128xf32, #tpu.memory_space<vmem>>) offsets(%dma_start3A_3 : memref<32xi32, #tpu.memory_space<vmem>>) semaphore(%arg8 : memref<!tpu.dma_semaphore, #tpu.memory_space<semaphore_mem>>)
    %dma_wait3A = arith.constant 0 : i32
    %dma_wait3A_7 = tpu.memref_slice %arg5[%dma_wait3A] : memref<32xi32, #tpu.memory_space<vmem>> -> memref<32xi32, #tpu.memory_space<vmem>>
    %dma_wait3A_8 = arith.constant 0 : i32
    %dma_wait3A_9 = arith.constant 0 : i32
    %dma_wait3A_10 = tpu.memref_slice %arg2[%dma_wait3A_8, %dma_wait3A_9] : memref<1920x128xf32, #tpu.memory_space<hbm>> -> memref<1920x128xf32, #tpu.memory_space<hbm>>
    tpu.wait_indirect_dma semaphore(%arg8 : memref<!tpu.dma_semaphore, #tpu.memory_space<semaphore_mem>>) src(%dma_wait3A_10 : memref<1920x128xf32, #tpu.memory_space<hbm>>) dst(%arg6 : memref<32x128xf32, #tpu.memory_space<vmem>>)
    %add3A_11 = arith.constant 0 : i32
    %add3A_12 = arith.addi %mul3A_2, %add3A_11 : i32
    %dma_start3A_13 = arith.constant 0 : i32
    %dma_start3A_14 = tpu.memref_slice %arg4[%add3A_12, %dma_start3A_13] : memref<1024x128xf32, #tpu.memory_space<hbm>> -> memref<32x128xf32, #tpu.memory_space<hbm>>
    %dma_start3A_15 = arith.constant 0 : i32
    %dma_start3A_16 = tpu.memref_slice %arg4[%add3A_12, %dma_start3A_15] : memref<1024x128xf32, #tpu.memory_space<hbm>> -> memref<32x128xf32, #tpu.memory_space<hbm>>
    tpu.enqueue_dma source(%arg6 : memref<32x128xf32, #tpu.memory_space<vmem>>) target(%dma_start3A_16 : memref<32x128xf32, #tpu.memory_space<hbm>>) target_semaphore(%arg10 : memref<!tpu.dma_semaphore, #tpu.memory_space<semaphore_mem>>)
    %dma_wait3A_17 = arith.constant 0 : i32
    %dma_wait3A_18 = tpu.memref_slice %arg4[%add3A_12, %dma_wait3A_17] : memref<1024x128xf32, #tpu.memory_space<hbm>> -> memref<32x128xf32, #tpu.memory_space<hbm>>
    %dma_wait3A_19 = arith.constant 0 : i32
    %dma_wait3A_20 = tpu.memref_slice %arg4[%add3A_12, %dma_wait3A_19] : memref<1024x128xf32, #tpu.memory_space<hbm>> -> memref<32x128xf32, #tpu.memory_space<hbm>>
    tpu.wait_dma2 semaphore(%arg10 : memref<!tpu.dma_semaphore, #tpu.memory_space<semaphore_mem>>) src(%arg6 : memref<32x128xf32, #tpu.memory_space<vmem>>) dst(%dma_wait3A_20 : memref<32x128xf32, #tpu.memory_space<hbm>>)
    return
  }
}

module attributes {stable_mosaic.version = 14 : i64} {
  func.func @body(%arg0: memref<1x1024xi32, #tpu.memory_space<vmem>>, %arg1: memref<1024x2048xf32, #tpu.memory_space<vmem>>, %arg2: memref<1x1024xi32, #tpu.memory_space<vmem>>, %arg3: memref<1x15xi32, #tpu.memory_space<vmem>>, %arg4: memref<1x15xi32, #tpu.memory_space<vmem>>, %arg5: memref<1024x2048xbf16, #tpu.memory_space<vmem>>) attributes {dimension_semantics = [], scalar_prefetch = 0 : i64, scratch_operands = 0 : i64, tpu.core_type = #tpu.core_type<tc>} {
    %get3A = arith.constant 0 : index
    %get3A_0 = arith.constant 0 : index
    %get3A_1 = vector.load %arg0[%get3A, %get3A_0] : memref<1x1024xi32, #tpu.memory_space<vmem>>, vector<1x1024xi32>
    %get3A_2 = vector.shape_cast %get3A_1 : vector<1x1024xi32> to vector<1024xi32>
    %iota3A = tpu.iota {dimensions = array<i32: 0>} : vector<8x1024xi32>
    %broadcast_in_dim3A = vector.shape_cast %get3A_2 : vector<1024xi32> to vector<1x1024xi32>
    %eq3A = vector.broadcast %broadcast_in_dim3A : vector<1x1024xi32> to vector<8x1024xi32>
    %eq3A_3 = arith.cmpi eq, %eq3A, %iota3A : vector<8x1024xi32>
    %convert_element_type3A = arith.extui %eq3A_3 : vector<8x1024xi1> to vector<8x1024xi32>
    %broadcast_in_dim3A_4 = arith.constant 0 : i32
    %broadcast_in_dim3A_5 = vector.broadcast %broadcast_in_dim3A_4 : i32 to vector<8x1xi32>
    %slice3A = vector.extract_strided_slice %convert_element_type3A {offsets = [0, 0], sizes = [8, 1023], strides = [1, 1]} : vector<8x1024xi32> to vector<8x1023xi32>
    %concatenate3A = tpu.concatenate %broadcast_in_dim3A_5, %slice3A in 1 : vector<8x1xi32>, vector<8x1023xi32> -> vector<8x1024xi32>
    %add3A = arith.addi %convert_element_type3A, %concatenate3A : vector<8x1024xi32>
    %broadcast_in_dim3A_6 = arith.constant 0 : i32
    %broadcast_in_dim3A_7 = vector.broadcast %broadcast_in_dim3A_6 : i32 to vector<8x2xi32>
    %slice3A_8 = vector.extract_strided_slice %add3A {offsets = [0, 0], sizes = [8, 1022], strides = [1, 1]} : vector<8x1024xi32> to vector<8x1022xi32>
    %concatenate3A_9 = tpu.concatenate %broadcast_in_dim3A_7, %slice3A_8 in 1 : vector<8x2xi32>, vector<8x1022xi32> -> vector<8x1024xi32>
    %add3A_10 = arith.addi %add3A, %concatenate3A_9 : vector<8x1024xi32>
    %broadcast_in_dim3A_11 = arith.constant 0 : i32
    %broadcast_in_dim3A_12 = vector.broadcast %broadcast_in_dim3A_11 : i32 to vector<8x4xi32>
    %slice3A_13 = vector.extract_strided_slice %add3A_10 {offsets = [0, 0], sizes = [8, 1020], strides = [1, 1]} : vector<8x1024xi32> to vector<8x1020xi32>
    %concatenate3A_14 = tpu.concatenate %broadcast_in_dim3A_12, %slice3A_13 in 1 : vector<8x4xi32>, vector<8x1020xi32> -> vector<8x1024xi32>
    %add3A_15 = arith.addi %add3A_10, %concatenate3A_14 : vector<8x1024xi32>
    %broadcast_in_dim3A_16 = arith.constant 0 : i32
    %broadcast_in_dim3A_17 = vector.broadcast %broadcast_in_dim3A_16 : i32 to vector<8x8xi32>
    %slice3A_18 = vector.extract_strided_slice %add3A_15 {offsets = [0, 0], sizes = [8, 1016], strides = [1, 1]} : vector<8x1024xi32> to vector<8x1016xi32>
    %concatenate3A_19 = tpu.concatenate %broadcast_in_dim3A_17, %slice3A_18 in 1 : vector<8x8xi32>, vector<8x1016xi32> -> vector<8x1024xi32>
    %add3A_20 = arith.addi %add3A_15, %concatenate3A_19 : vector<8x1024xi32>
    %broadcast_in_dim3A_21 = arith.constant 0 : i32
    %broadcast_in_dim3A_22 = vector.broadcast %broadcast_in_dim3A_21 : i32 to vector<8x16xi32>
    %slice3A_23 = vector.extract_strided_slice %add3A_20 {offsets = [0, 0], sizes = [8, 1008], strides = [1, 1]} : vector<8x1024xi32> to vector<8x1008xi32>
    %concatenate3A_24 = tpu.concatenate %broadcast_in_dim3A_22, %slice3A_23 in 1 : vector<8x16xi32>, vector<8x1008xi32> -> vector<8x1024xi32>
    %add3A_25 = arith.addi %add3A_20, %concatenate3A_24 : vector<8x1024xi32>
    %broadcast_in_dim3A_26 = arith.constant 0 : i32
    %broadcast_in_dim3A_27 = vector.broadcast %broadcast_in_dim3A_26 : i32 to vector<8x32xi32>
    %slice3A_28 = vector.extract_strided_slice %add3A_25 {offsets = [0, 0], sizes = [8, 992], strides = [1, 1]} : vector<8x1024xi32> to vector<8x992xi32>
    %concatenate3A_29 = tpu.concatenate %broadcast_in_dim3A_27, %slice3A_28 in 1 : vector<8x32xi32>, vector<8x992xi32> -> vector<8x1024xi32>
    %add3A_30 = arith.addi %add3A_25, %concatenate3A_29 : vector<8x1024xi32>
    %broadcast_in_dim3A_31 = arith.constant 0 : i32
    %broadcast_in_dim3A_32 = vector.broadcast %broadcast_in_dim3A_31 : i32 to vector<8x64xi32>
    %slice3A_33 = vector.extract_strided_slice %add3A_30 {offsets = [0, 0], sizes = [8, 960], strides = [1, 1]} : vector<8x1024xi32> to vector<8x960xi32>
    %concatenate3A_34 = tpu.concatenate %broadcast_in_dim3A_32, %slice3A_33 in 1 : vector<8x64xi32>, vector<8x960xi32> -> vector<8x1024xi32>
    %add3A_35 = arith.addi %add3A_30, %concatenate3A_34 : vector<8x1024xi32>
    %broadcast_in_dim3A_36 = arith.constant 0 : i32
    %broadcast_in_dim3A_37 = vector.broadcast %broadcast_in_dim3A_36 : i32 to vector<8x128xi32>
    %slice3A_38 = vector.extract_strided_slice %add3A_35 {offsets = [0, 0], sizes = [8, 896], strides = [1, 1]} : vector<8x1024xi32> to vector<8x896xi32>
    %concatenate3A_39 = tpu.concatenate %broadcast_in_dim3A_37, %slice3A_38 in 1 : vector<8x128xi32>, vector<8x896xi32> -> vector<8x1024xi32>
    %add3A_40 = arith.addi %add3A_35, %concatenate3A_39 : vector<8x1024xi32>
    %broadcast_in_dim3A_41 = arith.constant 0 : i32
    %broadcast_in_dim3A_42 = vector.broadcast %broadcast_in_dim3A_41 : i32 to vector<8x256xi32>
    %slice3A_43 = vector.extract_strided_slice %add3A_40 {offsets = [0, 0], sizes = [8, 768], strides = [1, 1]} : vector<8x1024xi32> to vector<8x768xi32>
    %concatenate3A_44 = tpu.concatenate %broadcast_in_dim3A_42, %slice3A_43 in 1 : vector<8x256xi32>, vector<8x768xi32> -> vector<8x1024xi32>
    %add3A_45 = arith.addi %add3A_40, %concatenate3A_44 : vector<8x1024xi32>
    %broadcast_in_dim3A_46 = arith.constant 0 : i32
    %broadcast_in_dim3A_47 = vector.broadcast %broadcast_in_dim3A_46 : i32 to vector<8x512xi32>
    %slice3A_48 = vector.extract_strided_slice %add3A_45 {offsets = [0, 0], sizes = [8, 512], strides = [1, 1]} : vector<8x1024xi32> to vector<8x512xi32>
    %concatenate3A_49 = tpu.concatenate %broadcast_in_dim3A_47, %slice3A_48 in 1 : vector<8x512xi32>, vector<8x512xi32> -> vector<8x1024xi32>
    %add3A_50 = arith.addi %add3A_45, %concatenate3A_49 : vector<8x1024xi32>
    %slice3A_51 = vector.extract_strided_slice %add3A_50 {offsets = [0, 1023], sizes = [8, 1], strides = [1, 1]} : vector<8x1024xi32> to vector<8x1xi32>
    %add3A_52 = arith.constant 127 : i32
    %add3A_53 = vector.broadcast %add3A_52 : i32 to vector<8x1xi32>
    %add3A_54 = arith.addi %slice3A_51, %add3A_53 : vector<8x1xi32>
    %shift_right_logical3A = arith.constant 7 : i32
    %shift_right_logical3A_55 = vector.broadcast %shift_right_logical3A : i32 to vector<8x1xi32>
    %shift_right_logical3A_56 = arith.shrui %add3A_54, %shift_right_logical3A_55 : vector<8x1xi32>
    %broadcast_in_dim3A_57 = arith.constant 0 : i32
    %broadcast_in_dim3A_58 = vector.broadcast %broadcast_in_dim3A_57 : i32 to vector<1x1xi32>
    %slice3A_59 = vector.extract_strided_slice %shift_right_logical3A_56 {offsets = [0, 0], sizes = [7, 1], strides = [1, 1]} : vector<8x1xi32> to vector<7x1xi32>
    %concatenate3A_60 = tpu.concatenate %broadcast_in_dim3A_58, %slice3A_59 in 0 : vector<1x1xi32>, vector<7x1xi32> -> vector<8x1xi32>
    %add3A_61 = arith.addi %shift_right_logical3A_56, %concatenate3A_60 : vector<8x1xi32>
    %broadcast_in_dim3A_62 = arith.constant 0 : i32
    %broadcast_in_dim3A_63 = vector.broadcast %broadcast_in_dim3A_62 : i32 to vector<2x1xi32>
    %slice3A_64 = vector.extract_strided_slice %add3A_61 {offsets = [0, 0], sizes = [6, 1], strides = [1, 1]} : vector<8x1xi32> to vector<6x1xi32>
    %concatenate3A_65 = tpu.concatenate %broadcast_in_dim3A_63, %slice3A_64 in 0 : vector<2x1xi32>, vector<6x1xi32> -> vector<8x1xi32>
    %add3A_66 = arith.addi %add3A_61, %concatenate3A_65 : vector<8x1xi32>
    %broadcast_in_dim3A_67 = arith.constant 0 : i32
    %broadcast_in_dim3A_68 = vector.broadcast %broadcast_in_dim3A_67 : i32 to vector<4x1xi32>
    %slice3A_69 = vector.extract_strided_slice %add3A_66 {offsets = [0, 0], sizes = [4, 1], strides = [1, 1]} : vector<8x1xi32> to vector<4x1xi32>
    %concatenate3A_70 = tpu.concatenate %broadcast_in_dim3A_68, %slice3A_69 in 0 : vector<4x1xi32>, vector<4x1xi32> -> vector<8x1xi32>
    %add3A_71 = arith.addi %add3A_66, %concatenate3A_70 : vector<8x1xi32>
    %sub3A = arith.subi %add3A_71, %shift_right_logical3A_56 : vector<8x1xi32>
    %sub3A_72 = arith.subi %add3A_50, %convert_element_type3A : vector<8x1024xi32>
    %mul3A = arith.muli %sub3A_72, %convert_element_type3A : vector<8x1024xi32>
    %reduce_sum3A = arith.constant dense<0> : vector<1024xi32>
    %reduce_sum3A_73 = vector.multi_reduction <add>, %mul3A, %reduce_sum3A [0] : vector<8x1024xi32> to vector<1024xi32>
    %mul3A_74 = vector.broadcast %sub3A : vector<8x1xi32> to vector<8x1024xi32>
    %mul3A_75 = arith.muli %convert_element_type3A, %mul3A_74 : vector<8x1024xi32>
    %reduce_sum3A_76 = arith.constant dense<0> : vector<1024xi32>
    %reduce_sum3A_77 = vector.multi_reduction <add>, %mul3A_75, %reduce_sum3A_76 [0] : vector<8x1024xi32> to vector<1024xi32>
    %mul3A_78 = arith.constant 128 : i32
    %mul3A_79 = vector.broadcast %mul3A_78 : i32 to vector<1024xi32>
    %mul3A_80 = arith.muli %reduce_sum3A_77, %mul3A_79 : vector<1024xi32>
    %add3A_81 = arith.addi %mul3A_80, %reduce_sum3A_73 : vector<1024xi32>
    %swap3A = arith.constant 0 : index
    %swap3A_82 = arith.constant 0 : index
    %swap3A_83 = vector.load %arg2[%swap3A, %swap3A_82] : memref<1x1024xi32, #tpu.memory_space<vmem>>, vector<1x1024xi32>
    %swap3A_84 = vector.shape_cast %swap3A_83 : vector<1x1024xi32> to vector<1024xi32>
    %swap3A_85 = vector.shape_cast %add3A_81 : vector<1024xi32> to vector<1x1024xi32>
    tpu.vector_store %arg2[%swap3A, %swap3A_82], %swap3A_85 {strides = array<i32>} : memref<1x1024xi32, #tpu.memory_space<vmem>>, vector<1x1024xi32>,
    %iota3A_86 = tpu.iota {dimensions = array<i32: 1>} : vector<1x15xi32>
    %le3A = vector.broadcast %add3A_71 : vector<8x1xi32> to vector<8x15xi32>
    %le3A_87 = vector.broadcast %iota3A_86 : vector<1x15xi32> to vector<8x15xi32>
    %le3A_88 = arith.cmpi sle, %le3A, %le3A_87 : vector<8x15xi32>
    %convert_element_type3A_89 = arith.extui %le3A_88 : vector<8x15xi1> to vector<8x15xi32>
    %reduce_sum3A_90 = arith.constant dense<0> : vector<15xi32>
    %reduce_sum3A_91 = vector.multi_reduction <add>, %convert_element_type3A_89, %reduce_sum3A_90 [0] : vector<8x15xi32> to vector<15xi32>
    %broadcast_in_dim3A_92 = vector.shape_cast %reduce_sum3A_91 : vector<15xi32> to vector<1x15xi32>
    %slice3A_93 = vector.extract_strided_slice %add3A_71 {offsets = [7, 0], sizes = [1, 1], strides = [1, 1]} : vector<8x1xi32> to vector<1x1xi32>
    %lt3A = vector.broadcast %slice3A_93 : vector<1x1xi32> to vector<1x15xi32>
    %lt3A_94 = arith.cmpi slt, %iota3A_86, %lt3A : vector<1x15xi32>
    %convert_element_type3A_95 = arith.extui %lt3A_94 : vector<1x15xi1> to vector<1x15xi32>
    %sub3A_96 = arith.constant 1 : i32
    %sub3A_97 = vector.broadcast %sub3A_96 : i32 to vector<1x1xi32>
    %sub3A_98 = arith.subi %slice3A_93, %sub3A_97 : vector<1x1xi32>
    %le3A_99 = vector.broadcast %sub3A_98 : vector<1x1xi32> to vector<8x1xi32>
    %le3A_100 = arith.cmpi sle, %add3A_71, %le3A_99 : vector<8x1xi32>
    %convert_element_type3A_101 = arith.extui %le3A_100 : vector<8x1xi1> to vector<8x1xi32>
    %reduce_sum3A_102 = arith.constant dense<0> : vector<1xi32>
    %reduce_sum3A_103 = vector.multi_reduction <add>, %convert_element_type3A_101, %reduce_sum3A_102 [0] : vector<8x1xi32> to vector<1xi32>
    %broadcast_in_dim3A_104 = vector.shape_cast %reduce_sum3A_103 : vector<1xi32> to vector<1x1xi32>
    %eq3A_105 = arith.constant 1 : i32
    %eq3A_106 = vector.broadcast %eq3A_105 : i32 to vector<1x15xi32>
    %eq3A_107 = arith.cmpi eq, %convert_element_type3A_95, %eq3A_106 : vector<1x15xi32>
    %min3A = arith.constant 7 : i32
    %min3A_108 = vector.broadcast %min3A : i32 to vector<1x15xi32>
    %min3A_109 = arith.minsi %broadcast_in_dim3A_92, %min3A_108 : vector<1x15xi32>
    %broadcast_in_dim3A_110 = vector.shape_cast %broadcast_in_dim3A_104 : vector<1x1xi32> to vector<1x1xi32>
    %broadcast_in_dim3A_111 = vector.broadcast %broadcast_in_dim3A_110 : vector<1x1xi32> to vector<1x15xi32>
    %select_n3A = arith.select %eq3A_107, %min3A_109, %broadcast_in_dim3A_111 : vector<1x15xi1>, vector<1x15xi32>
    %swap3A_112 = arith.constant 0 : index
    %swap3A_113 = arith.constant 0 : index
    %swap3A_114 = vector.load %arg3[%swap3A_112, %swap3A_113] : memref<1x15xi32, #tpu.memory_space<vmem>>, vector<1x15xi32>
    tpu.vector_store %arg3[%swap3A_112, %swap3A_113], %select_n3A {strides = array<i32>} : memref<1x15xi32, #tpu.memory_space<vmem>>, vector<1x15xi32>,
    %swap3A_115 = arith.constant 0 : index
    %swap3A_116 = arith.constant 0 : index
    %swap3A_117 = vector.load %arg4[%swap3A_115, %swap3A_116] : memref<1x15xi32, #tpu.memory_space<vmem>>, vector<1x15xi32>
    tpu.vector_store %arg4[%swap3A_115, %swap3A_116], %convert_element_type3A_95 {strides = array<i32>} : memref<1x15xi32, #tpu.memory_space<vmem>>, vector<1x15xi32>,
    %get3A_118 = arith.constant 0 : index
    %get3A_119 = arith.constant 0 : index
    %get3A_120 = vector.load %arg1[%get3A_118, %get3A_119] : memref<1024x2048xf32, #tpu.memory_space<vmem>>, vector<1024x2048xf32>
    %convert_element_type3A_121 = arith.truncf %get3A_120 : vector<1024x2048xf32> to vector<1024x2048xbf16>
    %swap3A_122 = arith.constant 0 : index
    %swap3A_123 = arith.constant 0 : index
    %swap3A_124 = vector.load %arg5[%swap3A_122, %swap3A_123] : memref<1024x2048xbf16, #tpu.memory_space<vmem>>, vector<1024x2048xbf16>
    tpu.vector_store %arg5[%swap3A_122, %swap3A_123], %convert_element_type3A_121 {strides = array<i32>} : memref<1024x2048xbf16, #tpu.memory_space<vmem>>, vector<1024x2048xbf16>,
    return
  }
}

module attributes {stable_mosaic.version = 14 : i64} {
  func.func @body(%arg0: i32, %arg1: memref<15xi32, #tpu.memory_space<smem>>, %arg2: memref<15xi32, #tpu.memory_space<smem>>, %arg3: memref<1x1024xi32, #tpu.memory_space<vmem>>, %arg4: memref<1024x2048xbf16, #tpu.memory_space<vmem>>, %arg5: memref<1x2060x2048xbf16, #tpu.memory_space<vmem>>, %arg6: memref<1x2048x32xbf16, #tpu.memory_space<vmem>>, %arg7: memref<1x1x2048xf32, #tpu.memory_space<vmem>>, %arg8: memref<1x1x32xf32, #tpu.memory_space<vmem>>, %arg9: memref<8x12xf32, #tpu.memory_space<smem>>, %arg10: memref<128x128xf32, #tpu.memory_space<vmem>>) attributes {dimension_semantics = [#tpu.dimension_semantics<arbitrary>], iteration_bounds = array<i64: 15>, scalar_prefetch = 2 : i64, scratch_operands = 0 : i64, tpu.core_type = #tpu.core_type<tc>, window_params = [{pipeline_mode = #tpu.pipeline_mode<synchronous>, transform_indices = @transform_0, window_bounds = array<i64: 1, 1024>}, {pipeline_mode = #tpu.pipeline_mode<synchronous>, transform_indices = @transform_1, window_bounds = array<i64: 1024, 2048>}, {transform_indices = @transform_2, window_bounds = array<i64: 1, 2060, 2048>}, {transform_indices = @transform_3, window_bounds = array<i64: 1, 2048, 32>}, {transform_indices = @transform_4, window_bounds = array<i64: 1, 1, 2048>}, {transform_indices = @transform_5, window_bounds = array<i64: 1, 1, 32>}, {transform_indices = @transform_6, window_bounds = array<i64: 8, 12>}, {transform_indices = @transform_7, window_bounds = array<i64: 128, 128>}]} {
    %get3A = arith.index_cast %arg0 : i32 to index
    %get3A_0 = memref.load %arg1[%get3A] : memref<15xi32, #tpu.memory_space<smem>>
    %get3A_1 = arith.index_cast %arg0 : i32 to index
    %get3A_2 = memref.load %arg2[%get3A_1] : memref<15xi32, #tpu.memory_space<smem>>
    %eq3A = arith.constant 1 : i32
    %eq3A_3 = arith.cmpi eq, %get3A_2, %eq3A : i32
    %convert_element_type3A = arith.extui %eq3A_3 : i1 to i32
    %cond3A = arith.constant 0 : i32
    %cond3A_4 = arith.cmpi ne, %convert_element_type3A, %cond3A : i32
    scf.if %cond3A_4 {
      %iota3A = tpu.iota {dimensions = array<i32: 0>} : vector<128x1024xi32>
      %mul3A = arith.constant 128 : i32
      %mul3A_12 = arith.muli %arg0, %mul3A : i32
      %add3A = vector.broadcast %mul3A_12 : i32 to vector<128x1024xi32>
      %add3A_13 = arith.addi %iota3A, %add3A : vector<128x1024xi32>
      %get3A_14 = arith.constant 0 : index
      %get3A_15 = arith.constant 0 : index
      %get3A_16 = vector.load %arg3[%get3A_14, %get3A_15] : memref<1x1024xi32, #tpu.memory_space<vmem>>, vector<1x1024xi32>
      %get3A_17 = vector.shape_cast %get3A_16 : vector<1x1024xi32> to vector<1024xi32>
      %broadcast_in_dim3A = vector.shape_cast %get3A_17 : vector<1024xi32> to vector<1x1024xi32>
      %eq3A_18 = vector.broadcast %broadcast_in_dim3A : vector<1x1024xi32> to vector<128x1024xi32>
      %eq3A_19 = arith.cmpi eq, %add3A_13, %eq3A_18 : vector<128x1024xi32>
      %convert_element_type3A_20 = arith.extui %eq3A_19 : vector<128x1024xi1> to vector<128x1024xi32>
      %convert_element_type3A_21 = arith.sitofp %convert_element_type3A_20 : vector<128x1024xi32> to vector<128x1024xf32>
      %convert_element_type3A_22 = arith.truncf %convert_element_type3A_21 : vector<128x1024xf32> to vector<128x1024xbf16>
      %get3A_23 = arith.constant 0 : index
      %get3A_24 = arith.constant 0 : index
      %get3A_25 = vector.load %arg4[%get3A_23, %get3A_24] : memref<1024x2048xbf16, #tpu.memory_space<vmem>>, vector<1024x2048xbf16>
      %dot_general3A = arith.constant dense<0.000000e+00> : vector<128x2048xf32>
      %dot_general3A_26 = tpu.matmul %convert_element_type3A_22, %get3A_25, %dot_general3A {dimension_numbers = #tpu.dot_dimension_numbers<[1], [0], [0], [1], [0, 0, 1, 1], [], []>, transpose_lhs_hint = false} : vector<128x1024xbf16>, vector<1024x2048xbf16>, vector<128x2048xf32> -> vector<128x2048xf32>
      %convert_element_type3A_27 = arith.truncf %dot_general3A_26 : vector<128x2048xf32> to vector<128x2048xbf16>
      %get3A_28 = arith.constant 0 : index
      %get3A_29 = arith.constant 0 : index
      %get3A_30 = arith.constant 0 : index
      %get3A_31 = vector.load %arg7[%get3A_28, %get3A_29, %get3A_30] : memref<1x1x2048xf32, #tpu.memory_space<vmem>>, vector<1x1x2048xf32>
      %get3A_32 = vector.shape_cast %get3A_31 : vector<1x1x2048xf32> to vector<2048xf32>
      %get3A_33 = arith.index_cast %get3A_0 : i32 to index
      %get3A_34 = arith.constant 0 : index
      %get3A_35 = memref.load %arg9[%get3A_33, %get3A_34] : memref<8x12xf32, #tpu.memory_space<smem>>
      %get3A_36 = arith.constant 0 : index
      %get3A_37 = arith.constant 2048 : index
      %get3A_38 = arith.constant 0 : index
      %get3A_39 = vector.load %arg5[%get3A_36, %get3A_37, %get3A_38] : memref<1x2060x2048xbf16, #tpu.memory_space<vmem>>, vector<1x1x2048xbf16>
      %get3A_40 = vector.shape_cast %get3A_39 : vector<1x1x2048xbf16> to vector<2048xbf16>
      %convert_element_type3A_41 = arith.extf %get3A_40 : vector<2048xbf16> to vector<2048xf32>
      %mul3A_42 = vector.broadcast %get3A_35 : f32 to vector<2048xf32>
      %mul3A_43 = arith.mulf %mul3A_42, %convert_element_type3A_41 : vector<2048xf32>
      %add3A_44 = arith.addf %get3A_32, %mul3A_43 : vector<2048xf32>
      %get3A_45 = arith.index_cast %get3A_0 : i32 to index
      %get3A_46 = arith.constant 1 : index
      %get3A_47 = memref.load %arg9[%get3A_45, %get3A_46] : memref<8x12xf32, #tpu.memory_space<smem>>
      %get3A_48 = arith.constant 0 : index
      %get3A_49 = arith.constant 2049 : index
      %get3A_50 = arith.constant 0 : index
      %get3A_51 = vector.load %arg5[%get3A_48, %get3A_49, %get3A_50] : memref<1x2060x2048xbf16, #tpu.memory_space<vmem>>, vector<1x1x2048xbf16>
      %get3A_52 = vector.shape_cast %get3A_51 : vector<1x1x2048xbf16> to vector<2048xbf16>
      %convert_element_type3A_53 = arith.extf %get3A_52 : vector<2048xbf16> to vector<2048xf32>
      %mul3A_54 = vector.broadcast %get3A_47 : f32 to vector<2048xf32>
      %mul3A_55 = arith.mulf %mul3A_54, %convert_element_type3A_53 : vector<2048xf32>
      %add3A_56 = arith.addf %add3A_44, %mul3A_55 : vector<2048xf32>
      %get3A_57 = arith.index_cast %get3A_0 : i32 to index
      %get3A_58 = arith.constant 2 : index
      %get3A_59 = memref.load %arg9[%get3A_57, %get3A_58] : memref<8x12xf32, #tpu.memory_space<smem>>
      %get3A_60 = arith.constant 0 : index
      %get3A_61 = arith.constant 2050 : index
      %get3A_62 = arith.constant 0 : index
      %get3A_63 = vector.load %arg5[%get3A_60, %get3A_61, %get3A_62] : memref<1x2060x2048xbf16, #tpu.memory_space<vmem>>, vector<1x1x2048xbf16>
      %get3A_64 = vector.shape_cast %get3A_63 : vector<1x1x2048xbf16> to vector<2048xbf16>
      %convert_element_type3A_65 = arith.extf %get3A_64 : vector<2048xbf16> to vector<2048xf32>
      %mul3A_66 = vector.broadcast %get3A_59 : f32 to vector<2048xf32>
      %mul3A_67 = arith.mulf %mul3A_66, %convert_element_type3A_65 : vector<2048xf32>
      %add3A_68 = arith.addf %add3A_56, %mul3A_67 : vector<2048xf32>
      %get3A_69 = arith.index_cast %get3A_0 : i32 to index
      %get3A_70 = arith.constant 3 : index
      %get3A_71 = memref.load %arg9[%get3A_69, %get3A_70] : memref<8x12xf32, #tpu.memory_space<smem>>
      %get3A_72 = arith.constant 0 : index
      %get3A_73 = arith.constant 2051 : index
      %get3A_74 = arith.constant 0 : index
      %get3A_75 = vector.load %arg5[%get3A_72, %get3A_73, %get3A_74] : memref<1x2060x2048xbf16, #tpu.memory_space<vmem>>, vector<1x1x2048xbf16>
      %get3A_76 = vector.shape_cast %get3A_75 : vector<1x1x2048xbf16> to vector<2048xbf16>
      %convert_element_type3A_77 = arith.extf %get3A_76 : vector<2048xbf16> to vector<2048xf32>
      %mul3A_78 = vector.broadcast %get3A_71 : f32 to vector<2048xf32>
      %mul3A_79 = arith.mulf %mul3A_78, %convert_element_type3A_77 : vector<2048xf32>
      %add3A_80 = arith.addf %add3A_68, %mul3A_79 : vector<2048xf32>
      %get3A_81 = arith.index_cast %get3A_0 : i32 to index
      %get3A_82 = arith.constant 4 : index
      %get3A_83 = memref.load %arg9[%get3A_81, %get3A_82] : memref<8x12xf32, #tpu.memory_space<smem>>
      %get3A_84 = arith.constant 0 : index
      %get3A_85 = arith.constant 2052 : index
      %get3A_86 = arith.constant 0 : index
      %get3A_87 = vector.load %arg5[%get3A_84, %get3A_85, %get3A_86] : memref<1x2060x2048xbf16, #tpu.memory_space<vmem>>, vector<1x1x2048xbf16>
      %get3A_88 = vector.shape_cast %get3A_87 : vector<1x1x2048xbf16> to vector<2048xbf16>
      %convert_element_type3A_89 = arith.extf %get3A_88 : vector<2048xbf16> to vector<2048xf32>
      %mul3A_90 = vector.broadcast %get3A_83 : f32 to vector<2048xf32>
      %mul3A_91 = arith.mulf %mul3A_90, %convert_element_type3A_89 : vector<2048xf32>
      %add3A_92 = arith.addf %add3A_80, %mul3A_91 : vector<2048xf32>
      %get3A_93 = arith.index_cast %get3A_0 : i32 to index
      %get3A_94 = arith.constant 5 : index
      %get3A_95 = memref.load %arg9[%get3A_93, %get3A_94] : memref<8x12xf32, #tpu.memory_space<smem>>
      %get3A_96 = arith.constant 0 : index
      %get3A_97 = arith.constant 2053 : index
      %get3A_98 = arith.constant 0 : index
      %get3A_99 = vector.load %arg5[%get3A_96, %get3A_97, %get3A_98] : memref<1x2060x2048xbf16, #tpu.memory_space<vmem>>, vector<1x1x2048xbf16>
      %get3A_100 = vector.shape_cast %get3A_99 : vector<1x1x2048xbf16> to vector<2048xbf16>
      %convert_element_type3A_101 = arith.extf %get3A_100 : vector<2048xbf16> to vector<2048xf32>
      %mul3A_102 = vector.broadcast %get3A_95 : f32 to vector<2048xf32>
      %mul3A_103 = arith.mulf %mul3A_102, %convert_element_type3A_101 : vector<2048xf32>
      %add3A_104 = arith.addf %add3A_92, %mul3A_103 : vector<2048xf32>
      %get3A_105 = arith.index_cast %get3A_0 : i32 to index
      %get3A_106 = arith.constant 6 : index
      %get3A_107 = memref.load %arg9[%get3A_105, %get3A_106] : memref<8x12xf32, #tpu.memory_space<smem>>
      %get3A_108 = arith.constant 0 : index
      %get3A_109 = arith.constant 2054 : index
      %get3A_110 = arith.constant 0 : index
      %get3A_111 = vector.load %arg5[%get3A_108, %get3A_109, %get3A_110] : memref<1x2060x2048xbf16, #tpu.memory_space<vmem>>, vector<1x1x2048xbf16>
      %get3A_112 = vector.shape_cast %get3A_111 : vector<1x1x2048xbf16> to vector<2048xbf16>
      %convert_element_type3A_113 = arith.extf %get3A_112 : vector<2048xbf16> to vector<2048xf32>
      %mul3A_114 = vector.broadcast %get3A_107 : f32 to vector<2048xf32>
      %mul3A_115 = arith.mulf %mul3A_114, %convert_element_type3A_113 : vector<2048xf32>
      %add3A_116 = arith.addf %add3A_104, %mul3A_115 : vector<2048xf32>
      %get3A_117 = arith.index_cast %get3A_0 : i32 to index
      %get3A_118 = arith.constant 7 : index
      %get3A_119 = memref.load %arg9[%get3A_117, %get3A_118] : memref<8x12xf32, #tpu.memory_space<smem>>
      %get3A_120 = arith.constant 0 : index
      %get3A_121 = arith.constant 2055 : index
      %get3A_122 = arith.constant 0 : index
      %get3A_123 = vector.load %arg5[%get3A_120, %get3A_121, %get3A_122] : memref<1x2060x2048xbf16, #tpu.memory_space<vmem>>, vector<1x1x2048xbf16>
      %get3A_124 = vector.shape_cast %get3A_123 : vector<1x1x2048xbf16> to vector<2048xbf16>
      %convert_element_type3A_125 = arith.extf %get3A_124 : vector<2048xbf16> to vector<2048xf32>
      %mul3A_126 = vector.broadcast %get3A_119 : f32 to vector<2048xf32>
      %mul3A_127 = arith.mulf %mul3A_126, %convert_element_type3A_125 : vector<2048xf32>
      %add3A_128 = arith.addf %add3A_116, %mul3A_127 : vector<2048xf32>
      %get3A_129 = arith.index_cast %get3A_0 : i32 to index
      %get3A_130 = arith.constant 8 : index
      %get3A_131 = memref.load %arg9[%get3A_129, %get3A_130] : memref<8x12xf32, #tpu.memory_space<smem>>
      %get3A_132 = arith.constant 0 : index
      %get3A_133 = arith.constant 2056 : index
      %get3A_134 = arith.constant 0 : index
      %get3A_135 = vector.load %arg5[%get3A_132, %get3A_133, %get3A_134] : memref<1x2060x2048xbf16, #tpu.memory_space<vmem>>, vector<1x1x2048xbf16>
      %get3A_136 = vector.shape_cast %get3A_135 : vector<1x1x2048xbf16> to vector<2048xbf16>
      %convert_element_type3A_137 = arith.extf %get3A_136 : vector<2048xbf16> to vector<2048xf32>
      %mul3A_138 = vector.broadcast %get3A_131 : f32 to vector<2048xf32>
      %mul3A_139 = arith.mulf %mul3A_138, %convert_element_type3A_137 : vector<2048xf32>
      %add3A_140 = arith.addf %add3A_128, %mul3A_139 : vector<2048xf32>
      %get3A_141 = arith.index_cast %get3A_0 : i32 to index
      %get3A_142 = arith.constant 9 : index
      %get3A_143 = memref.load %arg9[%get3A_141, %get3A_142] : memref<8x12xf32, #tpu.memory_space<smem>>
      %get3A_144 = arith.constant 0 : index
      %get3A_145 = arith.constant 2057 : index
      %get3A_146 = arith.constant 0 : index
      %get3A_147 = vector.load %arg5[%get3A_144, %get3A_145, %get3A_146] : memref<1x2060x2048xbf16, #tpu.memory_space<vmem>>, vector<1x1x2048xbf16>
      %get3A_148 = vector.shape_cast %get3A_147 : vector<1x1x2048xbf16> to vector<2048xbf16>
      %convert_element_type3A_149 = arith.extf %get3A_148 : vector<2048xbf16> to vector<2048xf32>
      %mul3A_150 = vector.broadcast %get3A_143 : f32 to vector<2048xf32>
      %mul3A_151 = arith.mulf %mul3A_150, %convert_element_type3A_149 : vector<2048xf32>
      %add3A_152 = arith.addf %add3A_140, %mul3A_151 : vector<2048xf32>
      %get3A_153 = arith.index_cast %get3A_0 : i32 to index
      %get3A_154 = arith.constant 10 : index
      %get3A_155 = memref.load %arg9[%get3A_153, %get3A_154] : memref<8x12xf32, #tpu.memory_space<smem>>
      %get3A_156 = arith.constant 0 : index
      %get3A_157 = arith.constant 2058 : index
      %get3A_158 = arith.constant 0 : index
      %get3A_159 = vector.load %arg5[%get3A_156, %get3A_157, %get3A_158] : memref<1x2060x2048xbf16, #tpu.memory_space<vmem>>, vector<1x1x2048xbf16>
      %get3A_160 = vector.shape_cast %get3A_159 : vector<1x1x2048xbf16> to vector<2048xbf16>
      %convert_element_type3A_161 = arith.extf %get3A_160 : vector<2048xbf16> to vector<2048xf32>
      %mul3A_162 = vector.broadcast %get3A_155 : f32 to vector<2048xf32>
      %mul3A_163 = arith.mulf %mul3A_162, %convert_element_type3A_161 : vector<2048xf32>
      %add3A_164 = arith.addf %add3A_152, %mul3A_163 : vector<2048xf32>
      %get3A_165 = arith.index_cast %get3A_0 : i32 to index
      %get3A_166 = arith.constant 11 : index
      %get3A_167 = memref.load %arg9[%get3A_165, %get3A_166] : memref<8x12xf32, #tpu.memory_space<smem>>
      %get3A_168 = arith.constant 0 : index
      %get3A_169 = arith.constant 2059 : index
      %get3A_170 = arith.constant 0 : index
      %get3A_171 = vector.load %arg5[%get3A_168, %get3A_169, %get3A_170] : memref<1x2060x2048xbf16, #tpu.memory_space<vmem>>, vector<1x1x2048xbf16>
      %get3A_172 = vector.shape_cast %get3A_171 : vector<1x1x2048xbf16> to vector<2048xbf16>
      %convert_element_type3A_173 = arith.extf %get3A_172 : vector<2048xbf16> to vector<2048xf32>
      %mul3A_174 = vector.broadcast %get3A_167 : f32 to vector<2048xf32>
      %mul3A_175 = arith.mulf %mul3A_174, %convert_element_type3A_173 : vector<2048xf32>
      %add3A_176 = arith.addf %add3A_164, %mul3A_175 : vector<2048xf32>
      %get3A_177 = arith.constant 0 : index
      %get3A_178 = arith.constant 0 : index
      %get3A_179 = arith.constant 0 : index
      %get3A_180 = vector.load %arg5[%get3A_177, %get3A_178, %get3A_179] : memref<1x2060x2048xbf16, #tpu.memory_space<vmem>>, vector<1x2048x2048xbf16>
      %get3A_181 = vector.shape_cast %get3A_180 : vector<1x2048x2048xbf16> to vector<2048x2048xbf16>
      %dot_general3A_182 = arith.constant dense<0.000000e+00> : vector<128x2048xf32>
      %dot_general3A_183 = tpu.matmul %convert_element_type3A_27, %get3A_181, %dot_general3A_182 {dimension_numbers = #tpu.dot_dimension_numbers<[1], [0], [0], [1], [0, 0, 1, 1], [], []>, transpose_lhs_hint = false} : vector<128x2048xbf16>, vector<2048x2048xbf16>, vector<128x2048xf32> -> vector<128x2048xf32>
      %broadcast_in_dim3A_184 = vector.shape_cast %add3A_176 : vector<2048xf32> to vector<1x2048xf32>
      %add3A_185 = vector.broadcast %broadcast_in_dim3A_184 : vector<1x2048xf32> to vector<128x2048xf32>
      %add3A_186 = arith.addf %dot_general3A_183, %add3A_185 : vector<128x2048xf32>
      %max3A = arith.constant 0.000000e+00 : f32
      %max3A_187 = vector.broadcast %max3A : f32 to vector<128x2048xf32>
      %max3A_188 = arith.maximumf %add3A_186, %max3A_187 : vector<128x2048xf32>
      %convert_element_type3A_189 = arith.truncf %max3A_188 : vector<128x2048xf32> to vector<128x2048xbf16>
      %get3A_190 = arith.constant 0 : index
      %get3A_191 = arith.constant 0 : index
      %get3A_192 = arith.constant 0 : index
      %get3A_193 = vector.load %arg6[%get3A_190, %get3A_191, %get3A_192] : memref<1x2048x32xbf16, #tpu.memory_space<vmem>>, vector<1x2048x32xbf16>
      %get3A_194 = vector.shape_cast %get3A_193 : vector<1x2048x32xbf16> to vector<2048x32xbf16>
      %dot_general3A_195 = arith.constant dense<0.000000e+00> : vector<128x32xf32>
      %dot_general3A_196 = tpu.matmul %convert_element_type3A_189, %get3A_194, %dot_general3A_195 {dimension_numbers = #tpu.dot_dimension_numbers<[1], [0], [0], [1], [0, 0, 1, 1], [], []>, transpose_lhs_hint = false} : vector<128x2048xbf16>, vector<2048x32xbf16>, vector<128x32xf32> -> vector<128x32xf32>
      %get3A_197 = arith.constant 0 : index
      %get3A_198 = arith.constant 0 : index
      %get3A_199 = arith.constant 0 : index
      %get3A_200 = vector.load %arg8[%get3A_197, %get3A_198, %get3A_199] : memref<1x1x32xf32, #tpu.memory_space<vmem>>, vector<1x1x32xf32>
      %get3A_201 = vector.shape_cast %get3A_200 : vector<1x1x32xf32> to vector<32xf32>
      %broadcast_in_dim3A_202 = vector.shape_cast %get3A_201 : vector<32xf32> to vector<1x32xf32>
      %add3A_203 = vector.broadcast %broadcast_in_dim3A_202 : vector<1x32xf32> to vector<128x32xf32>
      %add3A_204 = arith.addf %dot_general3A_196, %add3A_203 : vector<128x32xf32>
      %reduce_max3A = arith.constant dense<0xFF800000> : vector<128xf32>
      %reduce_max3A_205 = vector.multi_reduction <maximumf>, %add3A_204, %reduce_max3A [1] : vector<128x32xf32> to vector<128xf32>
      %broadcast_in_dim3A_206 = vector.shape_cast %reduce_max3A_205 : vector<128xf32> to vector<128x1xf32>
      %sub3A = vector.broadcast %broadcast_in_dim3A_206 : vector<128x1xf32> to vector<128x32xf32>
      %sub3A_207 = arith.subf %add3A_204, %sub3A : vector<128x32xf32>
      %exp3A = math.exp %sub3A_207 : vector<128x32xf32>
      %reduce_sum3A = arith.constant dense<0.000000e+00> : vector<128xf32>
      %reduce_sum3A_208 = vector.multi_reduction <add>, %exp3A, %reduce_sum3A [1] : vector<128x32xf32> to vector<128xf32>
      %broadcast_in_dim3A_209 = vector.shape_cast %reduce_sum3A_208 : vector<128xf32> to vector<128x1xf32>
      %log3A = math.log %broadcast_in_dim3A_209 : vector<128x1xf32>
      %broadcast_in_dim3A_210 = arith.constant 0.000000e+00 : f32
      %broadcast_in_dim3A_211 = vector.broadcast %broadcast_in_dim3A_210 : f32 to vector<128x96xf32>
      %swap3A = arith.constant 0 : index
      %swap3A_212 = arith.constant 32 : index
      %swap3A_213 = vector.load %arg10[%swap3A, %swap3A_212] : memref<128x128xf32, #tpu.memory_space<vmem>>, vector<128x96xf32>
      tpu.vector_store %arg10[%swap3A, %swap3A_212], %broadcast_in_dim3A_211 {strides = array<i32>} : memref<128x128xf32, #tpu.memory_space<vmem>>, vector<128x96xf32>,
      %add3A_214 = arith.addf %broadcast_in_dim3A_206, %log3A : vector<128x1xf32>
      %sub3A_215 = vector.broadcast %add3A_214 : vector<128x1xf32> to vector<128x32xf32>
      %sub3A_216 = arith.subf %add3A_204, %sub3A_215 : vector<128x32xf32>
      %swap3A_217 = arith.constant 0 : index
      %swap3A_218 = arith.constant 0 : index
      %swap3A_219 = vector.load %arg10[%swap3A_217, %swap3A_218] : memref<128x128xf32, #tpu.memory_space<vmem>>, vector<128x32xf32>
      tpu.vector_store %arg10[%swap3A_217, %swap3A_218], %sub3A_216 {strides = array<i32>} : memref<128x128xf32, #tpu.memory_space<vmem>>, vector<128x32xf32>,
    } else {
    }
    %get3A_5 = arith.index_cast %arg0 : i32 to index
    %get3A_6 = memref.load %arg2[%get3A_5] : memref<15xi32, #tpu.memory_space<smem>>
    %eq3A_7 = arith.constant 0 : i32
    %eq3A_8 = arith.cmpi eq, %get3A_6, %eq3A_7 : i32
    %convert_element_type3A_9 = arith.extui %eq3A_8 : i1 to i32
    %cond3A_10 = arith.constant 0 : i32
    %cond3A_11 = arith.cmpi ne, %convert_element_type3A_9, %cond3A_10 : i32
    scf.if %cond3A_11 {
      %broadcast_in_dim3A = arith.constant 0.000000e+00 : f32
      %broadcast_in_dim3A_12 = vector.broadcast %broadcast_in_dim3A : f32 to vector<128x128xf32>
      %swap3A = arith.constant 0 : index
      %swap3A_13 = arith.constant 0 : index
      %swap3A_14 = vector.load %arg10[%swap3A, %swap3A_13] : memref<128x128xf32, #tpu.memory_space<vmem>>, vector<128x128xf32>
      tpu.vector_store %arg10[%swap3A, %swap3A_13], %broadcast_in_dim3A_12 {strides = array<i32>} : memref<128x128xf32, #tpu.memory_space<vmem>>, vector<128x128xf32>,
    } else {
    }
    return
  }
  func.func @transform_0(%arg0: i32, %arg1: memref<15xi32, #tpu.memory_space<smem>>, %arg2: memref<15xi32, #tpu.memory_space<smem>>) -> (i32, i32) {
    %c0_i32 = arith.constant 0 : i32
    %c0_i32_0 = arith.constant 0 : i32
    %c0_i32_1 = arith.constant 0 : i32
    return %c0_i32, %c0_i32_0 : i32, i32
  }
  func.func @transform_1(%arg0: i32, %arg1: memref<15xi32, #tpu.memory_space<smem>>, %arg2: memref<15xi32, #tpu.memory_space<smem>>) -> (i32, i32) {
    %c0_i32 = arith.constant 0 : i32
    %c0_i32_0 = arith.constant 0 : i32
    %c0_i32_1 = arith.constant 0 : i32
    return %c0_i32, %c0_i32_0 : i32, i32
  }
  func.func @transform_2(%arg0: i32, %arg1: memref<15xi32, #tpu.memory_space<smem>>, %arg2: memref<15xi32, #tpu.memory_space<smem>>) -> (i32, i32, i32) {
    %get3A = arith.index_cast %arg0 : i32 to index
    %get3A_0 = memref.load %arg1[%get3A] : memref<15xi32, #tpu.memory_space<smem>>
    %c0_i32 = arith.constant 0 : i32
    %c0_i32_1 = arith.constant 0 : i32
    %c0_i32_2 = arith.constant 0 : i32
    return %get3A_0, %c0_i32, %c0_i32_1 : i32, i32, i32
  }
  func.func @transform_3(%arg0: i32, %arg1: memref<15xi32, #tpu.memory_space<smem>>, %arg2: memref<15xi32, #tpu.memory_space<smem>>) -> (i32, i32, i32) {
    %get3A = arith.index_cast %arg0 : i32 to index
    %get3A_0 = memref.load %arg1[%get3A] : memref<15xi32, #tpu.memory_space<smem>>
    %c0_i32 = arith.constant 0 : i32
    %c0_i32_1 = arith.constant 0 : i32
    %c0_i32_2 = arith.constant 0 : i32
    return %get3A_0, %c0_i32, %c0_i32_1 : i32, i32, i32
  }
  func.func @transform_4(%arg0: i32, %arg1: memref<15xi32, #tpu.memory_space<smem>>, %arg2: memref<15xi32, #tpu.memory_space<smem>>) -> (i32, i32, i32) {
    %get3A = arith.index_cast %arg0 : i32 to index
    %get3A_0 = memref.load %arg1[%get3A] : memref<15xi32, #tpu.memory_space<smem>>
    %c0_i32 = arith.constant 0 : i32
    %c0_i32_1 = arith.constant 0 : i32
    %c0_i32_2 = arith.constant 0 : i32
    return %get3A_0, %c0_i32, %c0_i32_1 : i32, i32, i32
  }
  func.func @transform_5(%arg0: i32, %arg1: memref<15xi32, #tpu.memory_space<smem>>, %arg2: memref<15xi32, #tpu.memory_space<smem>>) -> (i32, i32, i32) {
    %get3A = arith.index_cast %arg0 : i32 to index
    %get3A_0 = memref.load %arg1[%get3A] : memref<15xi32, #tpu.memory_space<smem>>
    %c0_i32 = arith.constant 0 : i32
    %c0_i32_1 = arith.constant 0 : i32
    %c0_i32_2 = arith.constant 0 : i32
    return %get3A_0, %c0_i32, %c0_i32_1 : i32, i32, i32
  }
  func.func @transform_6(%arg0: i32, %arg1: memref<15xi32, #tpu.memory_space<smem>>, %arg2: memref<15xi32, #tpu.memory_space<smem>>) -> (i32, i32) {
    %c0_i32 = arith.constant 0 : i32
    %c0_i32_0 = arith.constant 0 : i32
    %c0_i32_1 = arith.constant 0 : i32
    return %c0_i32, %c0_i32_0 : i32, i32
  }
  func.func @transform_7(%arg0: i32, %arg1: memref<15xi32, #tpu.memory_space<smem>>, %arg2: memref<15xi32, #tpu.memory_space<smem>>) -> (i32, i32) {
    %c0_i32 = arith.constant 0 : i32
    %c0_i32_0 = arith.constant 0 : i32
    return %arg0, %c0_i32 : i32, i32
  }
}

</mosaic_0001>

<sc_bundles>
// kernel: kernel.5.cloned.1.call-start
scs
__scs_entry_jumppad:
0x0: {  	(pc) =	sbr.rel $0x88, $3  }
0x1: {  	(tag) =	ssettag $0x0;
	lr =	simm.s32 $0x1  }
0x2: {  	[smem:$0x3F9A] =	sst lr;
	_ =	strace $0xD0000000  }
0x3: {  	_ = 	snop  }
0x4: {  	_ = 	snop  }
0x5: {  	_ = 	snop  }
0x6: {  	_ = 	snop  }
0x7: {  	_ = 	snop  }
__scs_overlays_trampoline_lowered:
0x8: {  	[smem:$0x3FA9] =	sst s0  }
0x9: {  	[smem:$0x3FAA] =	sst s1  }
0xa: {  	[smem:$0x3FAB] =	sst s2  }
0xb: {  	[smem:$0x3FAC] =	sst s3  }
0xc: {  	[smem:$0x3FAD] =	sst s4  }
0xd: {  	[smem:$0x3FAE] =	sst s5  }
0xe: {  	[smem:$0x3FAF] =	sst s6  }
0xf: {  	[smem:$0x3FB0] =	sst s7  }
0x10: {  	[smem:$0x3FB1] =	sst s8  }
0x11: {  	[smem:$0x3FB2] =	sst s9;
	s0 =	simm.s32 @!p0 $0x0  }
0x12: {  	s1 =	sld [smem:$0x3F98];
	s0 =	simm.s32 @p0 $0x1  }
0x13: {  	[smem:$0x3FB3] =	sst s0;
	s0 =	simm.s32 @!p1 $0x0  }
0x14: {  	s2 =	sld [smem:$0x3F97];
	s0 =	simm.s32 @p1 $0x1  }
0x15: {  	[smem:$0x3FB4] =	sst s0;
	s0 =	simm.s32 @!p2 $0x0  }
0x16: {  	s3 =	sld [smem:$0x3FDB];
	s0 =	simm.s32 @p2 $0x1  }
0x17: {  	s4 =	simm.s32 $0x1BF5;
	[smem:$0x3FB6] =	sst s0  }
0x18: {  	s0 =	sld [smem:$0x3F99];
	_ =	swait.ge [sflag:s4], $0x0  }
0x19: {  	s7 =	sld [smem:$0x3F9A]  }
0x1a: {  	s8 =	sadd.s32 $0xFFFFE003, lr  }
0x1b: {  	s9 =	sadd.s32 $0xFFFFFEF7, lr;
	s5 =	simm.s32 $0xFFFFFFFF;
	p2 =	slt.u32 s8, $0xFFFFF086  }
0x1c: {  	p1 =	slt.u32 s9, $0xF7A;
	s5 =	simm.s32 @!p2 $0x0  }
0x1d: {  	s5 =	simm.s32 @p1 $0x1;
	p0 =	seq.s32 s7, s2  }
0x1e: {  	s7 =	smul.u32 @!p0 $0xF7A, s2;
	p2 =	seq.s32 @!p0 s5, $0x0  }
0x1f: {  	s9 =	smul.u32 $0xF7A, s1;
	s8 =	simm.s32 @!p0 $0x1BF5;
	p2 =	por !p2, p0  }
0x20: {  	[sflag:s8] =	ssyncset.s32 @!p0 $0xFFFFF086;
	s6 =	sadd.s32 @!p0 s3, s7;
	s7 =	simm.s32 @!p0 $0x108  }
0x21: {  	s3 =	sadd.s32 s3, s9;
	s6 =	sadd.s32 @!p0 $0x88, s6;
	s7 =	simm.s32 @p2 $0x1082  }
0x22: {  	[simem:s7], [sflag:s8] =	dma.local @!p0 [hbm:s6], $0xF7A  }
0x23: {  	s9 =	sor.u32 $0xD0000000, s2;
	s6 =	simm.s32 $0x108;
	_ =	swait.ge @!p0 [sflag:s8], $0x0  }
0x24: {  	s3 =	sadd.s32 $0x88, s3;
	s6 =	simm.s32 @!p1 $0x1082;
	[sflag:s4] =	ssyncset.s32 $0xFFFFF086  }
0x25: {  	[simem:s6], [sflag:s4] =	dma.local [hbm:s3], $0xF7A  }
0x26: {  	[smem:$0x3F9A] =	sst s1;
	(tag) =	ssettag s2;
	_ =	strace s9  }
0x27: {  	s1 =	sld [smem:$0x3FAA]  }
0x28: {  	s2 =	sld [smem:$0x3FAB]  }
0x29: {  	s4 =	sld [smem:$0x3FAD]  }
0x2a: {  	p0 =	seq.s32 s5, $0x0;
	s5 =	sld [smem:$0x3FAE]  }
0x2b: {  	s6 =	sld [smem:$0x3FAF]  }
0x2c: {  	s7 =	sld [smem:$0x3FB0]  }
0x2d: {  	s3 =	simm.s32 $0x108;
	s8 =	sld [smem:$0x3FB1]  }
0x2e: {  	s3 =	simm.s32 @!p0 $0x1082;
	s9 =	sld [smem:$0x3FB2]  }
0x2f: {  	lr =	sadd.s32 s0, s3;
	s0 =	sld [smem:$0x3FA9]  }
0x30: {  	s3 =	sld [smem:$0x3FAC]  }
0x31: {  	[smem:$0x3FB5] =	sst s10  }
0x32: {  	s10 =	sld [smem:$0x3FB3];
	_ =	sdelay $0x3  }
0x33: {  	p0 =	seq.s32 s10, $0x1;
	s10 =	sld [smem:$0x3FB5];
	_ =	sdelay $0x3  }
0x34: {  	[smem:$0x3FB5] =	sst s10  }
0x35: {  	s10 =	sld [smem:$0x3FB4];
	_ =	sdelay $0x3  }
0x36: {  	p1 =	seq.s32 s10, $0x1;
	s10 =	sld [smem:$0x3FB5];
	_ =	sdelay $0x3  }
0x37: {  	[smem:$0x3FB5] =	sst s10  }
0x38: {  	s10 =	sld [smem:$0x3FB6]  }
0x39: {  	_ = 	snop;
	(pc) =	sbr.ind lr, $3  }
0x3a: {  	_ = 	snop  }
0x3b: {  	_ = 	snop  }
0x3c: {  	p2 =	seq.s32 s10, $0x1;
	s10 =	sld [smem:$0x3FB5]  }
0x3d: {  	_ =	shalt  }
0x3e: {  	_ =	shalt  }
0x3f: {  	_ =	shalt  }
0x40: {  	_ =	shalt  }
0x41: {  	_ =	shalt  }
0x42: {  	_ =	shalt  }
0x43: {  	_ =	shalt  }
0x44: {  	_ =	shalt  }
0x45: {  	_ =	shalt  }
0x46: {  	_ =	shalt  }
0x47: {  	_ =	shalt  }
0x48: {  	_ =	shalt  }
0x49: {  	_ =	shalt  }
0x4a: {  	_ =	shalt  }
0x4b: {  	_ =	shalt  }
0x4c: {  	_ =	shalt  }
0x4d: {  	_ =	shalt  }
0x4e: {  	_ =	shalt  }
0x4f: {  	_ =	shalt  }
0x50: {  	_ =	shalt  }
0x51: {  	_ =	shalt  }
0x52: {  	_ =	shalt  }
0x53: {  	_ =	shalt  }
0x54: {  	_ =	shalt  }
0x55: {  	_ =	shalt  }
0x56: {  	_ =	shalt  }
0x57: {  	_ =	shalt  }
0x58: {  	_ =	shalt  }
0x59: {  	_ =	shalt  }
0x5a: {  	_ =	shalt  }
0x5b: {  	_ =	shalt  }
0x5c: {  	_ =	shalt  }
0x5d: {  	_ =	shalt  }
0x5e: {  	_ =	shalt  }
0x5f: {  	_ =	shalt  }
0x60: {  	_ =	shalt  }
0x61: {  	_ =	shalt  }
0x62: {  	_ =	shalt  }
0x63: {  	_ =	shalt  }
0x64: {  	_ =	shalt  }
0x65: {  	_ =	shalt  }
0x66: {  	_ =	shalt  }
0x67: {  	_ =	shalt  }
0x68: {  	_ =	shalt  }
0x69: {  	_ =	shalt  }
0x6a: {  	_ =	shalt  }
0x6b: {  	_ =	shalt  }
0x6c: {  	_ =	shalt  }
0x6d: {  	_ =	shalt  }
0x6e: {  	_ =	shalt  }
0x6f: {  	_ =	shalt  }
0x70: {  	_ =	shalt  }
0x71: {  	_ =	shalt  }
0x72: {  	_ =	shalt  }
0x73: {  	_ =	shalt  }
0x74: {  	_ =	shalt  }
0x75: {  	_ =	shalt  }
0x76: {  	_ =	shalt  }
0x77: {  	_ =	shalt  }
0x78: {  	_ =	shalt  }
0x79: {  	_ =	shalt  }
0x7a: {  	_ =	shalt  }
0x7b: {  	_ =	shalt  }
0x7c: {  	_ =	shalt  }
0x7d: {  	_ =	shalt  }
0x7e: {  	_ =	shalt  }
0x7f: {  	_ =	shalt  }
0x80: {  	_ =	shalt  }
0x81: {  	_ =	shalt  }
0x82: {  	_ =	shalt  }
0x83: {  	_ =	shalt  }
0x84: {  	_ =	shalt  }
0x85: {  	_ =	shalt  }
0x86: {  	_ =	shalt  }
0x87: {  	_ =	shalt  }
.Lfunc_end0:
.L_simem_size_0:
called_computation_lowered:
.L_overlay_start_0:
0x88: {  	s2 =	sld [smem:$0x3FD9]  }
0x89: {  	s3 =	sld [smem:$0x3FFE];
	_ =	sdelay $0x1  }
0x8a: {  	s1 =	srdreg.scid  }
0x8b: {  	s0 =	sand.u32 $0x1, s1  }
0x8c: {  	s17 =	sshll.u32 s0, $0xA;
	s2 =	sadd.s32 s3, s2  }
0x8d: {  	s2 =	sadd.s32 s2, s17  }
0x8e: {  	[smem:$0x3FC1] =	sst s2  }
0x8f: {  	_ = 	snop  }
0x90: {  	s2 =	sld [smem:$0x3FD0];
	(tm) =	ssettm $0x1  }
0x91: {  	s18 =	sld [smem:$0x3FFB];
	_ =	sdelay $0x3  }
0x92: {  	_ =	strace s18  }
0x93: {  	s3 =	sld [smem:$0x3FFC];
	_ =	sdelay $0x3  }
0x94: {  	_ =	strace s3  }
0x95: {  	s3 =	sld [smem:$0x3FFD];
	_ =	sdelay $0x3  }
0x96: {  	_ =	strace s3  }
0x97: {  	_ =	strace $0x8FFFFFFF  }
0x98: {  	s19 =	sld [smem:$0x3FDB];
	_ =	sdelay $0x1  }
0x99: {  	s4 =	simm.s32 $_scs_section_size  }
0x9a: {  	s5 =	simm.s32 $_size__tile_overlayer_lowered;
	s6 =	simm.s32 $_tile_overlayer_lowered  }
0x9b: {  	s22 =	simm.s32 $0x1BFF;
	s21 =	sshll.u32 s6, $0x1;
	s3 =	sadd.s32 s4, s19  }
0x9c: {  	s7 =	simm.s32 $0x0;
	s20 =	sshll.u32 s5, $0x1;
	s5 =	sadd.s32 s21, s3  }
0x9d: {  	[timem:s7], [sflag:s22] =	dma.local [hbm:s5], s20  }
0x9e: {  	_ =	swait.ge [sflag:s22], s20  }
0x9f: {  	s4 =	ssub.s32 $0x0, s20;
	[sflag:s22] =	ssyncset.done $0x0  }
0xa0: {  	[sflag:s22] =	ssyncadd.s32 s4;
	_ =	sdelay $0x1  }
0xa1: {  	s23 =	simm.s32 $0x1B8B  }
0xa2: {  	_ =	swait.ge [sflag:s23], $0x1  }
0xa3: {  	[sflag:s23] =	ssyncset.done $0x0  }
0xa4: {  	s25 =	simm.s32 $0x1B8E;
	s24 =	sld [smem:$0x3FFE];
	[sflag:s23] =	ssyncadd.s32 $0xFFFFFFFF  }
0xa5: {  	s26 =	simm.s32 $execute0_lowered;
	[smem:$0x3FD2] =	sst s25  }
0xa6: {  	s5 =	sshll.u32 s26, $0x1;
	_ =	strace $0x80000046;
	[dreg:$0x1] =	wrdreg $0xFFFFFFFF  }
0xa7: {  	s28 =	simm.s32 $_size_execute0_lowered;
	s3 =	sadd.s32 s3, s5;
	[dreg:$0x0] =	wrdreg $0x0  }
0xa8: {  	s5 =	sshll.u32 s28, $0x1;
	[dreg:$0x2] =	wrdreg s3  }
0xa9: {  	[dreg:$0x3] =	wrdreg s5  }
0xaa: {  	[dreg:$0x4] =	wrdreg $0xC0  }
0xab: {  	_ =	task [dreg:s7], $0x5FFFF  }
0xac: {  	[dreg:$0x1] =	wrdreg $0xFFFFFFFF  }
0xad: {  	[dreg:$0x0] =	wrdreg $0x60  }
0xae: {  	[dreg:$0x2] =	wrdreg s24  }
0xaf: {  	[dreg:$0x3] =	wrdreg s2  }
0xb0: {  	[dreg:$0x4] =	wrdreg $0x9  }
0xb1: {  	_ =	task.clear_ibuf [dreg:s7], $0x5FFFF;
	_ =	strace $0x90000046  }
0xb2: {  	s29 =	simm.s32 $0x9;
	_ =	strace $0x80000048  }
0xb3: {  	_ =	swait.ge [sflag:s29], $0x1  }
0xb4: {  	[sflag:s29] =	ssyncadd.s32 $0xFFFFFFFF  }
0xb5: {  	_ =	strace $0x90000048  }
0xb6: {  	_ =	sfence  }
0xb7: {  	s30 =	sld [smem:$0x0];
	_ =	sdelay $0x2  }
0xb8: {  	s31 =	sshll.u32 s1, $0xD;
	s1 =	sshrl.u32 s1, $0x2  }
0xb9: {  	s3 =	sand.u32 $0x4000, s31;
	s1 =	sadd.s32 s1, s30  }
0xba: {  	s0 =	sor.u32 s3, s0;
	s1 =	sshll.u32 s1, $0x11  }
0xbb: {  	s0 =	sor.u32 s1, s0  }
0xbc: {  	s0 =	sadd.s32 $0x8F2B, s0  }
0xbd: {  	[sflag:s0] =	ssyncadd.remote.s32 $0x1  }
0xbe: {  	_ =	sfence.sel $0xFFFF  }
0xbf: {  	[dreg:$0x0] =	wrdreg $0xFFFFFFFF;
	(pc) =	sbr.abs _section_cstart, $3  }
0xc0: {  	[dreg:$0x1] =	wrdreg $0xFFFFFFFF  }
0xc1: {  	_ =	task.clear_ibuf [dreg:s7], $0x2FFFF;
	_ =	strace $0x9FFFFFFF  }
0xc2: {  	(tm) =	ssettm $0x7FFFFFFF  }
0xc3: {  	_ =	shalt  }
tec
execute0_lowered:
.L_overlay_start_1:
0x0: {  	(tag) =	ssettag $0x1  }
0x1: {  	s1 =	srdreg.scid  }
0x2: {  	s0 =	stileid.u32;
	s6 =	sand.u32 $0x1, s1  }
0x3: {  	s5 =	rddreg [dreg:$0x0];
	s31 =	sshll.u32 s0, $0x6;
	s2 =	sshll.u32 s6, $0x5  }
0x4: {  	s9 =	rddreg [dreg:$0x1];
	s4 =	simm.s32 $0x3;
	s10 =	sor.u32 s2, s31  }
0x5: {  	s1 =	rddreg [dreg:$0x2];
	s2 =	simm.s32 $0x0;
	s3 =	sshrl.u32 s10, $0x3  }
0x6: {  	s7 =	simm.s32 $0x80;
	[smem:$0x7FF] =	sst s2;
	s3 =	sadd.s32 s3, s5  }
0x7: {  	s11 =	ssub.s32 $0x2, s6;
	_ =	strace $0x80000047;
	s3 =	sadd.s32 $0x1400, s3  }
0x8: {  	[tilespmem:s2], [sflag:$0x3] =	stream.linear.gather [hbm4b:s3+s2], $0x20, $0x38;
	[tilespmem:$0x1080] =	vst v63  }
0x9: {  	s8 =	simm.s32 $0x1;
	s12 =	sshrl.u32 s11, $0x1;
	_ =	swait.ge [sflag:s4], $0x20  }
0xa: {  	s6 =	simm.s32 $0x20;
	s11 =	ssub.s32 s11, s12;
	[sflag:s4] =	ssyncset.done $0x0  }
0xb: {  	s5 =	sadd.s32 $0x1600, s5;
	s11 =	smax.u32 s11, $0x1;
	[sflag:s4] =	ssyncadd.s32 $0xFFFFFFE0  }
0xc: {  	[tilespmem:s7], [sflag:$0x1] =	stream.indirect.gather [hbm4b:s5+s6], $0x80, s2, s6, $0xb8;
	[tilespmem:$0x1080] =	vst v63  }
0xd: {  	p0 =	sne.s32 s11, $0x1;
	_ =	swait.ge [sflag:s8], $0x1000  }
.Ltmp0:
0xe: {  	s10 =	sshll.u32 s10, $0x4;
	[sflag:s8] =	ssyncset.done $0x0;
	(pc) =	sbr.rel @!p0 .LBB2_2-.Ltmp0, $4  }
0xf: {  	s9 =	sadd.s32 s9, s10;
	s10 =	simm.s32 $0x2;
	[sflag:s8] =	ssyncadd.s32 $0xFFFFF000  }
0x10: {  	[hbm4b:s9+s2] =	stream.linear.scatter [tilespmem:s7], [sflag:$0x2], $0x1000, $0x38;
	[tilespmem:$0x1080] =	vst v63  }
0x11: {  	_ =	swait.ge [sflag:s10], $0x1000  }
0x12: {  	s11 =	sadd.s32 $0xFFFFFFFF, s11;
	[sflag:s10] =	ssyncset.done $0x0  }
.LBB2_1:
0x13: {  	p0 =	sne.s32 s11, $0x1;
	s11 =	sadd.s32 $0xFFFFFFFF, s11;
	[sflag:s10] =	ssyncadd.s32 $0xFFFFF000  }
0x14: {  	[tilespmem:s2], [sflag:$0x3] =	stream.linear.gather [hbm4b:s3+s2], $0x20, $0x38;
	[tilespmem:$0x1080] =	vst v63  }
0x15: {  	_ =	swait.ge [sflag:s4], $0x20  }
0x16: {  	[sflag:s4] =	ssyncset.done $0x0  }
0x17: {  	[sflag:s4] =	ssyncadd.s32 $0xFFFFFFE0  }
0x18: {  	[tilespmem:s7], [sflag:$0x1] =	stream.indirect.gather [hbm4b:s5+s6], $0x80, s2, s6, $0xb8;
	[tilespmem:$0x1080] =	vst v63  }
0x19: {  	_ =	swait.ge [sflag:s8], $0x1000  }
.Ltmp1:
0x1a: {  	[sflag:s8] =	ssyncset.done $0x0;
	(pc) =	sbr.rel @p0 .LBB2_1-.Ltmp1, $4  }
0x1b: {  	[sflag:s8] =	ssyncadd.s32 $0xFFFFF000  }
0x1c: {  	[hbm4b:s9+s2] =	stream.linear.scatter [tilespmem:s7], [sflag:$0x2], $0x1000, $0x38;
	[tilespmem:$0x1080] =	vst v63  }
0x1d: {  	_ =	swait.ge [sflag:s10], $0x1000  }
0x1e: {  	[sflag:s10] =	ssyncset.done $0x0  }
.LBB2_2:
0x1f: {  	[sflag:s10] =	ssyncadd.s32 $0xFFFFF000  }
0x20: {  	_ =	sfence.sel $0x180000  }
0x21: {  	[bflag:$0x0] =	sbarrier.arrive $0xFFFF  }
0x22: {  	p0 =	sne.s32 s0, $0x0;
	_ =	strace $0x90000047  }
0x23: {  	s0 =	sadd.s32 @!p0 $0x100000, s1;
	[bflag:$0x2] =	sbarrier.arrive $0xFFFF  }
0x24: {  	[sflag:s0] =	ssyncadd.tile.s32 @!p0 $0x1;
	_ =	shalt  }
.Lfunc_end2:
_tile_overlayer_lowered:
.L_overlay_start_2:
0x25: {  	(tag) =	ssettag $0x2  }
0x26: {  	s0 =	rddreg [dreg:$0x0];
	s2 =	stileid.u32  }
0x27: {  	s1 =	rddreg [dreg:$0x1];
	p0 =	sne.s32 s2, $0x0  }
0x28: {  	s3 =	rddreg [dreg:$0x2];
	[bflag:$0x3] =	sbarrier.arrive $0xFFFF;
	s2 =	simm.s32 @!p0 $0x1C03  }
0x29: {  	[timem:s3], [sflag:s2] =	dma.local @!p0 [hbm:s0], s1  }
0x2a: {  	s0 =	simm.s32 @!p0 $0x3  }
0x2b: {  	_ =	swait.ge @!p0 [sflag:s0], s1  }
0x2c: {  	s1 =	ssub.s32 @!p0 $0x0, s1;
	[sflag:s0] =	ssyncset.done @!p0 $0x0  }
0x2d: {  	[sflag:s0] =	ssyncadd.s32 @!p0 s1  }
0x2e: {  	[bflag:$0x3] =	sbarrier.arrive $0xFFFF  }
0x2f: {  	_ =	shalt  }

</sc_bundles>
